<compile_context>
chip_gen: v7x
topology: tpu7x:2x2x1
jax: 0.10.2.dev20260603
libtpu: 0.0.44.dev20260713+nightly
codegen_flags: <defaults>
</compile_context>

<pallas_src>
import dataclasses
import functools

import jax
import jax.numpy as jnp
from jax import lax
from jax.experimental import pallas as pl
from jax.experimental.pallas import tpu as pltpu
from jax.experimental.pallas import tpu_sc as plsc
from jax._src.pallas import mpmd
from jax._src.pallas import core as _pallas_core

_BATCH = 16384
_NC = 2
_NS = 16
_NW = _NC * _NS
_BPW = _BATCH // _NW
_PER_SC = _NS * _BPW

_scalar_mesh = plsc.ScalarSubcoreMesh(axis_name="c", num_cores=_NC)
_vector_mesh = plsc.VectorSubcoreMesh(core_axis_name="c", subcore_axis_name="s")


def _scs_fn(table_hbm, idx_hbm, out_hbm, idx_sp, ready, idx_v, rows_v, sem):
    del table_hbm, out_hbm, idx_v, rows_v, sem
    c = lax.axis_index("c")
    pltpu.sync_copy(idx_hbm.at[pl.ds(c * _PER_SC, _PER_SC)], idx_sp)
    for s in range(_NS):
        pltpu.semaphore_signal(ready, 1, device_id={"s": s})


def _tec_fn(table_hbm, idx_hbm, out_hbm, idx_sp, ready, idx_v, rows_v, sem):
    del idx_hbm
    c = lax.axis_index("c")
    s = lax.axis_index("s")
    pl.semaphore_wait(ready, 1)
    pltpu.sync_copy(idx_sp.at[pl.ds(s * _BPW, _BPW)], idx_v)
    pltpu.async_copy(table_hbm.at[idx_v], rows_v, sem).wait()
    base = (c * _NS + s) * _BPW
    pltpu.sync_copy(rows_v, out_hbm.at[pl.ds(base, _BPW)])


_lookup = mpmd.mpmd_map(
    [(_scalar_mesh, _scs_fn), (_vector_mesh, _tec_fn)],
    jax.ShapeDtypeStruct((_BATCH,), jnp.float32),
    scratch_types=[
        pltpu.VMEM_SHARED((_PER_SC,), jnp.int32),
        dataclasses.replace(
            pltpu.SemaphoreType.REGULAR(()),
            memory_space=_pallas_core.CoreMemorySpace(
                pltpu.MemorySpace.SEMAPHORE, _vector_mesh
            ),
        ),
        _pallas_core.CoreMemorySpace(pltpu.MemorySpace.VMEM, _vector_mesh)(
            (_BPW,), jnp.int32
        ),
        _pallas_core.CoreMemorySpace(pltpu.MemorySpace.VMEM, _vector_mesh)(
            (_BPW,), jnp.float32
        ),
        dataclasses.replace(
            pltpu.SemaphoreType.DMA(()),
            memory_space=_pallas_core.CoreMemorySpace(
                pltpu.MemorySpace.SEMAPHORE, _vector_mesh
            ),
        ),
    ],
)


def kernel(potential, states):
    return _lookup(potential, states.astype(jnp.int32))

# --- scband reference (transcript-rebuilt; emitter-appended) ---
"""Pipeline reference for scband-lookup-table-24369644437992 (READ-ONLY COPY).

The authoritative reference and input builder live on the scoring server;
editing this copy changes nothing except your own understanding.
"""

import jax, jax.numpy as jnp
import numpy as np

SIZE = 1000000
BATCH = 16384

def get_agent_positions(states):
    # states already encode the agent's (flattened) position index
    return states.astype(jnp.int32)

def setup_inputs(seed: int = 0) -> dict:
    key = jax.random.key(seed)
    k1, k2 = jax.random.split(key)
    states = jax.random.randint(k1, (BATCH,), 0, SIZE, dtype=jnp.int64)
    # learned parameter: potential table of shape [size]
    # (module inits to zeros; use randn here so the lookup output is nontrivial)
    potential = jax.random.normal(k2, (SIZE,), dtype=jnp.float32)
    return {"potential": potential, "states": states}

def reference(potential, states):
    positions = get_agent_positions(states)
    return jnp.take(potential, positions, axis=0)

if __name__ == "__main__":
    import jax
    _d = setup_inputs()
    print(jax.jit(kernel)(*tuple(_d.values())))

</pallas_src>

<mosaic_0001>
#map = affine_map<(d0) -> (0)>
#map1 = affine_map<(d0, d1) -> (0)>
module attributes {stable_mosaic.version = 14 : i64} {
  func.func @_scs_fn(%arg0: i32, %arg1: memref<1000000xf32, #tpu.memory_space<hbm>>, %arg2: memref<16384xi32, #tpu.memory_space<hbm>>, %arg3: memref<16384xf32, #tpu.memory_space<hbm>>, %arg4: memref<8192xi32, #tpu.memory_space<vmem_shared>>, %arg5: memref<!tpu.semaphore, #tpu.memory_space<semaphore_mem, sc_vector_subcore>>, %arg6: memref<512xi32, #tpu.memory_space<vmem, sc_vector_subcore>>, %arg7: memref<512xf32, #tpu.memory_space<vmem, sc_vector_subcore>>, %arg8: memref<!tpu.dma_semaphore, #tpu.memory_space<semaphore_mem, sc_vector_subcore>>) attributes {dimension_semantics = [#tpu.dimension_semantics<core_parallel>], iteration_bounds = array<i64: 2>, scalar_prefetch = 0 : i64, scratch_operands = 5 : i64, tpu.core_type = #tpu.core_type<sc_scalar_subcore>, window_params = [{transform_indices = #map}, {transform_indices = #map}, {transform_indices = #map}]} {
    %mul3A = arith.constant 8192 : i32
    %mul3A_0 = arith.muli %arg0, %mul3A : i32
    "tpu.region"() ({
      %run_scoped3A = tpu.sem_alloc : memref<!tpu.dma_semaphore, #tpu.memory_space<semaphore_mem>>
      %dma_start3A = tpu.memref_slice %arg2[%mul3A_0] : memref<16384xi32, #tpu.memory_space<hbm>> -> memref<8192xi32, #tpu.memory_space<hbm>>
      tpu.enqueue_dma source(%dma_start3A : memref<8192xi32, #tpu.memory_space<hbm>>) target(%arg4 : memref<8192xi32, #tpu.memory_space<vmem_shared>>) target_semaphore(%run_scoped3A : memref<!tpu.dma_semaphore, #tpu.memory_space<semaphore_mem>>)
      %dma_wait3A = tpu.memref_slice %arg2[%mul3A_0] : memref<16384xi32, #tpu.memory_space<hbm>> -> memref<8192xi32, #tpu.memory_space<hbm>>
      tpu.wait_dma2 semaphore(%run_scoped3A : memref<!tpu.dma_semaphore, #tpu.memory_space<semaphore_mem>>) src(%dma_wait3A : memref<8192xi32, #tpu.memory_space<hbm>>) dst(%arg4 : memref<8192xi32, #tpu.memory_space<vmem_shared>>)
      tpu.yield
    }) : () -> ()
    %semaphore_signal3A = arith.constant 1 : i32
    %semaphore_signal3A_1 = arith.constant 0 : i32
    tpu.sem_signal %arg5, %semaphore_signal3A core_id %arg0 subcore_id %semaphore_signal3A_1 : memref<!tpu.semaphore, #tpu.memory_space<semaphore_mem, sc_vector_subcore>>
    %semaphore_signal3A_2 = arith.constant 1 : i32
    %semaphore_signal3A_3 = arith.constant 1 : i32
    tpu.sem_signal %arg5, %semaphore_signal3A_2 core_id %arg0 subcore_id %semaphore_signal3A_3 : memref<!tpu.semaphore, #tpu.memory_space<semaphore_mem, sc_vector_subcore>>
    %semaphore_signal3A_4 = arith.constant 1 : i32
    %semaphore_signal3A_5 = arith.constant 2 : i32
    tpu.sem_signal %arg5, %semaphore_signal3A_4 core_id %arg0 subcore_id %semaphore_signal3A_5 : memref<!tpu.semaphore, #tpu.memory_space<semaphore_mem, sc_vector_subcore>>
    %semaphore_signal3A_6 = arith.constant 1 : i32
    %semaphore_signal3A_7 = arith.constant 3 : i32
    tpu.sem_signal %arg5, %semaphore_signal3A_6 core_id %arg0 subcore_id %semaphore_signal3A_7 : memref<!tpu.semaphore, #tpu.memory_space<semaphore_mem, sc_vector_subcore>>
    %semaphore_signal3A_8 = arith.constant 1 : i32
    %semaphore_signal3A_9 = arith.constant 4 : i32
    tpu.sem_signal %arg5, %semaphore_signal3A_8 core_id %arg0 subcore_id %semaphore_signal3A_9 : memref<!tpu.semaphore, #tpu.memory_space<semaphore_mem, sc_vector_subcore>>
    %semaphore_signal3A_10 = arith.constant 1 : i32
    %semaphore_signal3A_11 = arith.constant 5 : i32
    tpu.sem_signal %arg5, %semaphore_signal3A_10 core_id %arg0 subcore_id %semaphore_signal3A_11 : memref<!tpu.semaphore, #tpu.memory_space<semaphore_mem, sc_vector_subcore>>
    %semaphore_signal3A_12 = arith.constant 1 : i32
    %semaphore_signal3A_13 = arith.constant 6 : i32
    tpu.sem_signal %arg5, %semaphore_signal3A_12 core_id %arg0 subcore_id %semaphore_signal3A_13 : memref<!tpu.semaphore, #tpu.memory_space<semaphore_mem, sc_vector_subcore>>
    %semaphore_signal3A_14 = arith.constant 1 : i32
    %semaphore_signal3A_15 = arith.constant 7 : i32
    tpu.sem_signal %arg5, %semaphore_signal3A_14 core_id %arg0 subcore_id %semaphore_signal3A_15 : memref<!tpu.semaphore, #tpu.memory_space<semaphore_mem, sc_vector_subcore>>
    %semaphore_signal3A_16 = arith.constant 1 : i32
    %semaphore_signal3A_17 = arith.constant 8 : i32
    tpu.sem_signal %arg5, %semaphore_signal3A_16 core_id %arg0 subcore_id %semaphore_signal3A_17 : memref<!tpu.semaphore, #tpu.memory_space<semaphore_mem, sc_vector_subcore>>
    %semaphore_signal3A_18 = arith.constant 1 : i32
    %semaphore_signal3A_19 = arith.constant 9 : i32
    tpu.sem_signal %arg5, %semaphore_signal3A_18 core_id %arg0 subcore_id %semaphore_signal3A_19 : memref<!tpu.semaphore, #tpu.memory_space<semaphore_mem, sc_vector_subcore>>
    %semaphore_signal3A_20 = arith.constant 1 : i32
    %semaphore_signal3A_21 = arith.constant 10 : i32
    tpu.sem_signal %arg5, %semaphore_signal3A_20 core_id %arg0 subcore_id %semaphore_signal3A_21 : memref<!tpu.semaphore, #tpu.memory_space<semaphore_mem, sc_vector_subcore>>
    %semaphore_signal3A_22 = arith.constant 1 : i32
    %semaphore_signal3A_23 = arith.constant 11 : i32
    tpu.sem_signal %arg5, %semaphore_signal3A_22 core_id %arg0 subcore_id %semaphore_signal3A_23 : memref<!tpu.semaphore, #tpu.memory_space<semaphore_mem, sc_vector_subcore>>
    %semaphore_signal3A_24 = arith.constant 1 : i32
    %semaphore_signal3A_25 = arith.constant 12 : i32
    tpu.sem_signal %arg5, %semaphore_signal3A_24 core_id %arg0 subcore_id %semaphore_signal3A_25 : memref<!tpu.semaphore, #tpu.memory_space<semaphore_mem, sc_vector_subcore>>
    %semaphore_signal3A_26 = arith.constant 1 : i32
    %semaphore_signal3A_27 = arith.constant 13 : i32
    tpu.sem_signal %arg5, %semaphore_signal3A_26 core_id %arg0 subcore_id %semaphore_signal3A_27 : memref<!tpu.semaphore, #tpu.memory_space<semaphore_mem, sc_vector_subcore>>
    %semaphore_signal3A_28 = arith.constant 1 : i32
    %semaphore_signal3A_29 = arith.constant 14 : i32
    tpu.sem_signal %arg5, %semaphore_signal3A_28 core_id %arg0 subcore_id %semaphore_signal3A_29 : memref<!tpu.semaphore, #tpu.memory_space<semaphore_mem, sc_vector_subcore>>
    %semaphore_signal3A_30 = arith.constant 1 : i32
    %semaphore_signal3A_31 = arith.constant 15 : i32
    tpu.sem_signal %arg5, %semaphore_signal3A_30 core_id %arg0 subcore_id %semaphore_signal3A_31 : memref<!tpu.semaphore, #tpu.memory_space<semaphore_mem, sc_vector_subcore>>
    return
  }
  func.func @_tec_fn(%arg0: i32, %arg1: i32, %arg2: memref<1000000xf32, #tpu.memory_space<hbm>>, %arg3: memref<16384xi32, #tpu.memory_space<hbm>>, %arg4: memref<16384xf32, #tpu.memory_space<hbm>>, %arg5: memref<8192xi32, #tpu.memory_space<vmem_shared>>, %arg6: memref<!tpu.semaphore, #tpu.memory_space<semaphore_mem>>, %arg7: memref<512xi32, #tpu.memory_space<vmem>>, %arg8: memref<512xf32, #tpu.memory_space<vmem>>, %arg9: memref<!tpu.dma_semaphore, #tpu.memory_space<semaphore_mem>>) attributes {dimension_semantics = [#tpu.dimension_semantics<core_parallel>, #tpu.dimension_semantics<subcore_parallel>], iteration_bounds = array<i64: 2, 16>, scalar_prefetch = 0 : i64, scratch_operands = 5 : i64, tpu.core_type = #tpu.core_type<sc_vector_subcore>, window_params = [{transform_indices = #map1}, {transform_indices = #map1}, {transform_indices = #map1}]} {
    %semaphore_wait3A = arith.constant 1 : i32
    %semaphore_wait3A_0 = arith.constant true
    tpu.sem_wait %arg6, %semaphore_wait3A : memref<!tpu.semaphore, #tpu.memory_space<semaphore_mem>>
    %mul3A = arith.constant 512 : i32
    %mul3A_1 = arith.muli %arg1, %mul3A : i32
    "tpu.region"() ({
      %run_scoped3A = tpu.sem_alloc : memref<!tpu.dma_semaphore, #tpu.memory_space<semaphore_mem>>
      %dma_start3A_8 = tpu.memref_slice %arg5[%mul3A_1] : memref<8192xi32, #tpu.memory_space<vmem_shared>> -> memref<512xi32, #tpu.memory_space<vmem_shared>>
      %dma_start3A_9 = tpu.memref_slice %arg5[%mul3A_1] : memref<8192xi32, #tpu.memory_space<vmem_shared>> -> memref<512xi32, #tpu.memory_space<vmem_shared>>
      tpu.enqueue_dma source(%dma_start3A_9 : memref<512xi32, #tpu.memory_space<vmem_shared>>) target(%arg7 : memref<512xi32, #tpu.memory_space<vmem>>) target_semaphore(%run_scoped3A : memref<!tpu.dma_semaphore, #tpu.memory_space<semaphore_mem>>)
      %dma_wait3A_10 = tpu.memref_slice %arg5[%mul3A_1] : memref<8192xi32, #tpu.memory_space<vmem_shared>> -> memref<512xi32, #tpu.memory_space<vmem_shared>>
      %dma_wait3A_11 = tpu.memref_slice %arg5[%mul3A_1] : memref<8192xi32, #tpu.memory_space<vmem_shared>> -> memref<512xi32, #tpu.memory_space<vmem_shared>>
      tpu.wait_dma2 semaphore(%run_scoped3A : memref<!tpu.dma_semaphore, #tpu.memory_space<semaphore_mem>>) src(%dma_wait3A_11 : memref<512xi32, #tpu.memory_space<vmem_shared>>) dst(%arg7 : memref<512xi32, #tpu.memory_space<vmem>>)
      tpu.yield
    }) : () -> ()
    %dma_start3A = arith.constant 0 : i32
    %dma_start3A_2 = tpu.memref_slice %arg2[%dma_start3A] : memref<1000000xf32, #tpu.memory_space<hbm>> -> memref<1000000xf32, #tpu.memory_space<hbm>>
    tpu.enqueue_indirect_dma source(%dma_start3A_2 : memref<1000000xf32, #tpu.memory_space<hbm>>) target(%arg8 : memref<512xf32, #tpu.memory_space<vmem>>) offsets(%arg7 : memref<512xi32, #tpu.memory_space<vmem>>) semaphore(%arg9 : memref<!tpu.dma_semaphore, #tpu.memory_space<semaphore_mem>>)
    %dma_wait3A = arith.constant 0 : i32
    %dma_wait3A_3 = tpu.memref_slice %arg2[%dma_wait3A] : memref<1000000xf32, #tpu.memory_space<hbm>> -> memref<1000000xf32, #tpu.memory_space<hbm>>
    tpu.wait_indirect_dma semaphore(%arg9 : memref<!tpu.dma_semaphore, #tpu.memory_space<semaphore_mem>>) src(%dma_wait3A_3 : memref<1000000xf32, #tpu.memory_space<hbm>>) dst(%arg8 : memref<512xf32, #tpu.memory_space<vmem>>)
    %mul3A_4 = arith.constant 16 : i32
    %mul3A_5 = arith.muli %arg0, %mul3A_4 : i32
    %add3A = arith.addi %mul3A_5, %arg1 : i32
    %mul3A_6 = arith.constant 512 : i32
    %mul3A_7 = arith.muli %add3A, %mul3A_6 : i32
    "tpu.region"() ({
      %run_scoped3A = tpu.sem_alloc : memref<!tpu.dma_semaphore, #tpu.memory_space<semaphore_mem>>
      %dma_start3A_8 = tpu.memref_slice %arg4[%mul3A_7] : memref<16384xf32, #tpu.memory_space<hbm>> -> memref<512xf32, #tpu.memory_space<hbm>>
      %dma_start3A_9 = tpu.memref_slice %arg4[%mul3A_7] : memref<16384xf32, #tpu.memory_space<hbm>> -> memref<512xf32, #tpu.memory_space<hbm>>
      tpu.enqueue_dma source(%arg8 : memref<512xf32, #tpu.memory_space<vmem>>) target(%dma_start3A_9 : memref<512xf32, #tpu.memory_space<hbm>>) target_semaphore(%run_scoped3A : memref<!tpu.dma_semaphore, #tpu.memory_space<semaphore_mem>>)
      %dma_wait3A_10 = tpu.memref_slice %arg4[%mul3A_7] : memref<16384xf32, #tpu.memory_space<hbm>> -> memref<512xf32, #tpu.memory_space<hbm>>
      %dma_wait3A_11 = tpu.memref_slice %arg4[%mul3A_7] : memref<16384xf32, #tpu.memory_space<hbm>> -> memref<512xf32, #tpu.memory_space<hbm>>
      tpu.wait_dma2 semaphore(%run_scoped3A : memref<!tpu.dma_semaphore, #tpu.memory_space<semaphore_mem>>) src(%arg8 : memref<512xf32, #tpu.memory_space<vmem>>) dst(%dma_wait3A_11 : memref<512xf32, #tpu.memory_space<hbm>>)
      tpu.yield
    }) : () -> ()
    return
  }
}

</mosaic_0001>

<sc_bundles>
// kernel: kernel.3.cloned.1.call-start
scs
__scs_entry_jumppad:
0x0: {  	(pc) =	sbr.rel $0x88, $3  }
0x1: {  	(tag) =	ssettag $0x0;
	lr =	simm.s32 $0x1  }
0x2: {  	[smem:$0x3F9F] =	sst lr;
	_ =	strace $0xD0000000  }
0x3: {  	_ = 	snop  }
0x4: {  	_ = 	snop  }
0x5: {  	_ = 	snop  }
0x6: {  	_ = 	snop  }
0x7: {  	_ = 	snop  }
__scs_overlays_trampoline_lowered:
0x8: {  	[smem:$0x3FAE] =	sst s0  }
0x9: {  	[smem:$0x3FAF] =	sst s1  }
0xa: {  	[smem:$0x3FB0] =	sst s2  }
0xb: {  	[smem:$0x3FB1] =	sst s3  }
0xc: {  	[smem:$0x3FB2] =	sst s4  }
0xd: {  	[smem:$0x3FB3] =	sst s5  }
0xe: {  	[smem:$0x3FB4] =	sst s6  }
0xf: {  	[smem:$0x3FB5] =	sst s7  }
0x10: {  	[smem:$0x3FB6] =	sst s8  }
0x11: {  	[smem:$0x3FB7] =	sst s9;
	s0 =	simm.s32 @!p0 $0x0  }
0x12: {  	s1 =	sld [smem:$0x3F9D];
	s0 =	simm.s32 @p0 $0x1  }
0x13: {  	[smem:$0x3FB8] =	sst s0;
	s0 =	simm.s32 @!p1 $0x0  }
0x14: {  	s2 =	sld [smem:$0x3F9C];
	s0 =	simm.s32 @p1 $0x1  }
0x15: {  	[smem:$0x3FB9] =	sst s0;
	s0 =	simm.s32 @!p2 $0x0  }
0x16: {  	s3 =	sld [smem:$0x3FDB];
	s0 =	simm.s32 @p2 $0x1  }
0x17: {  	s4 =	simm.s32 $0x1BF5;
	[smem:$0x3FBB] =	sst s0  }
0x18: {  	s0 =	sld [smem:$0x3F9E];
	_ =	swait.ge [sflag:s4], $0x0  }
0x19: {  	s7 =	sld [smem:$0x3F9F]  }
0x1a: {  	s8 =	sadd.s32 $0xFFFFE003, lr  }
0x1b: {  	s9 =	sadd.s32 $0xFFFFFEF7, lr;
	s5 =	simm.s32 $0xFFFFFFFF;
	p2 =	slt.u32 s8, $0xFFFFF086  }
0x1c: {  	p1 =	slt.u32 s9, $0xF7A;
	s5 =	simm.s32 @!p2 $0x0  }
0x1d: {  	s5 =	simm.s32 @p1 $0x1;
	p0 =	seq.s32 s7, s2  }
0x1e: {  	s7 =	smul.u32 @!p0 $0xF7A, s2;
	p2 =	seq.s32 @!p0 s5, $0x0  }
0x1f: {  	s9 =	smul.u32 $0xF7A, s1;
	s8 =	simm.s32 @!p0 $0x1BF5;
	p2 =	por !p2, p0  }
0x20: {  	[sflag:s8] =	ssyncset.s32 @!p0 $0xFFFFF086;
	s6 =	sadd.s32 @!p0 s3, s7;
	s7 =	simm.s32 @!p0 $0x108  }
0x21: {  	s3 =	sadd.s32 s3, s9;
	s6 =	sadd.s32 @!p0 $0x88, s6;
	s7 =	simm.s32 @p2 $0x1082  }
0x22: {  	[simem:s7], [sflag:s8] =	dma.local @!p0 [hbm:s6], $0xF7A  }
0x23: {  	s9 =	sor.u32 $0xD0000000, s2;
	s6 =	simm.s32 $0x108;
	_ =	swait.ge @!p0 [sflag:s8], $0x0  }
0x24: {  	s3 =	sadd.s32 $0x88, s3;
	s6 =	simm.s32 @!p1 $0x1082;
	[sflag:s4] =	ssyncset.s32 $0xFFFFF086  }
0x25: {  	[simem:s6], [sflag:s4] =	dma.local [hbm:s3], $0xF7A  }
0x26: {  	[smem:$0x3F9F] =	sst s1;
	(tag) =	ssettag s2;
	_ =	strace s9  }
0x27: {  	s1 =	sld [smem:$0x3FAF]  }
0x28: {  	s2 =	sld [smem:$0x3FB0]  }
0x29: {  	s4 =	sld [smem:$0x3FB2]  }
0x2a: {  	p0 =	seq.s32 s5, $0x0;
	s5 =	sld [smem:$0x3FB3]  }
0x2b: {  	s6 =	sld [smem:$0x3FB4]  }
0x2c: {  	s7 =	sld [smem:$0x3FB5]  }
0x2d: {  	s3 =	simm.s32 $0x108;
	s8 =	sld [smem:$0x3FB6]  }
0x2e: {  	s3 =	simm.s32 @!p0 $0x1082;
	s9 =	sld [smem:$0x3FB7]  }
0x2f: {  	lr =	sadd.s32 s0, s3;
	s0 =	sld [smem:$0x3FAE]  }
0x30: {  	s3 =	sld [smem:$0x3FB1]  }
0x31: {  	[smem:$0x3FBA] =	sst s10  }
0x32: {  	s10 =	sld [smem:$0x3FB8];
	_ =	sdelay $0x3  }
0x33: {  	p0 =	seq.s32 s10, $0x1;
	s10 =	sld [smem:$0x3FBA];
	_ =	sdelay $0x3  }
0x34: {  	[smem:$0x3FBA] =	sst s10  }
0x35: {  	s10 =	sld [smem:$0x3FB9];
	_ =	sdelay $0x3  }
0x36: {  	p1 =	seq.s32 s10, $0x1;
	s10 =	sld [smem:$0x3FBA];
	_ =	sdelay $0x3  }
0x37: {  	[smem:$0x3FBA] =	sst s10  }
0x38: {  	s10 =	sld [smem:$0x3FBB]  }
0x39: {  	_ = 	snop;
	(pc) =	sbr.ind lr, $3  }
0x3a: {  	_ = 	snop  }
0x3b: {  	_ = 	snop  }
0x3c: {  	p2 =	seq.s32 s10, $0x1;
	s10 =	sld [smem:$0x3FBA]  }
0x3d: {  	_ =	shalt  }
0x3e: {  	_ =	shalt  }
0x3f: {  	_ =	shalt  }
0x40: {  	_ =	shalt  }
0x41: {  	_ =	shalt  }
0x42: {  	_ =	shalt  }
0x43: {  	_ =	shalt  }
0x44: {  	_ =	shalt  }
0x45: {  	_ =	shalt  }
0x46: {  	_ =	shalt  }
0x47: {  	_ =	shalt  }
0x48: {  	_ =	shalt  }
0x49: {  	_ =	shalt  }
0x4a: {  	_ =	shalt  }
0x4b: {  	_ =	shalt  }
0x4c: {  	_ =	shalt  }
0x4d: {  	_ =	shalt  }
0x4e: {  	_ =	shalt  }
0x4f: {  	_ =	shalt  }
0x50: {  	_ =	shalt  }
0x51: {  	_ =	shalt  }
0x52: {  	_ =	shalt  }
0x53: {  	_ =	shalt  }
0x54: {  	_ =	shalt  }
0x55: {  	_ =	shalt  }
0x56: {  	_ =	shalt  }
0x57: {  	_ =	shalt  }
0x58: {  	_ =	shalt  }
0x59: {  	_ =	shalt  }
0x5a: {  	_ =	shalt  }
0x5b: {  	_ =	shalt  }
0x5c: {  	_ =	shalt  }
0x5d: {  	_ =	shalt  }
0x5e: {  	_ =	shalt  }
0x5f: {  	_ =	shalt  }
0x60: {  	_ =	shalt  }
0x61: {  	_ =	shalt  }
0x62: {  	_ =	shalt  }
0x63: {  	_ =	shalt  }
0x64: {  	_ =	shalt  }
0x65: {  	_ =	shalt  }
0x66: {  	_ =	shalt  }
0x67: {  	_ =	shalt  }
0x68: {  	_ =	shalt  }
0x69: {  	_ =	shalt  }
0x6a: {  	_ =	shalt  }
0x6b: {  	_ =	shalt  }
0x6c: {  	_ =	shalt  }
0x6d: {  	_ =	shalt  }
0x6e: {  	_ =	shalt  }
0x6f: {  	_ =	shalt  }
0x70: {  	_ =	shalt  }
0x71: {  	_ =	shalt  }
0x72: {  	_ =	shalt  }
0x73: {  	_ =	shalt  }
0x74: {  	_ =	shalt  }
0x75: {  	_ =	shalt  }
0x76: {  	_ =	shalt  }
0x77: {  	_ =	shalt  }
0x78: {  	_ =	shalt  }
0x79: {  	_ =	shalt  }
0x7a: {  	_ =	shalt  }
0x7b: {  	_ =	shalt  }
0x7c: {  	_ =	shalt  }
0x7d: {  	_ =	shalt  }
0x7e: {  	_ =	shalt  }
0x7f: {  	_ =	shalt  }
0x80: {  	_ =	shalt  }
0x81: {  	_ =	shalt  }
0x82: {  	_ =	shalt  }
0x83: {  	_ =	shalt  }
0x84: {  	_ =	shalt  }
0x85: {  	_ =	shalt  }
0x86: {  	_ =	shalt  }
0x87: {  	_ =	shalt  }
.Lfunc_end0:
.L_simem_size_0:
called_computation_lowered:
.L_overlay_start_0:
0x88: {  	s1 =	sld [smem:$0x3FD9]  }
0x89: {  	s3 =	sld [smem:$0x3FFE];
	_ =	sdelay $0x1  }
0x8a: {  	s2 =	srdreg.scid  }
0x8b: {  	s0 =	sand.u32 $0x1, s2  }
0x8c: {  	s25 =	sshll.u32 s0, $0xA;
	s1 =	sadd.s32 s3, s1  }
0x8d: {  	s1 =	sadd.s32 s1, s25  }
0x8e: {  	[smem:$0x3FC6] =	sst s1  }
0x8f: {  	_ = 	snop  }
0x90: {  	s4 =	sld [smem:$0x3FC9]  }
0x91: {  	s1 =	simm.s32 $0x0;
	s5 =	sld [smem:$0x3FC8]  }
0x92: {  	[smem:$0xF] =	sst s1  }
0x93: {  	s6 =	sld [smem:$0x3FD0];
	(tm) =	ssettm $0x1  }
0x94: {  	s7 =	sld [smem:$0x3FFB];
	_ =	sdelay $0x3  }
0x95: {  	_ =	strace s7  }
0x96: {  	s7 =	sld [smem:$0x3FFC];
	_ =	sdelay $0x3  }
0x97: {  	_ =	strace s7  }
0x98: {  	s7 =	sld [smem:$0x3FFD];
	_ =	sdelay $0x3  }
0x99: {  	_ =	strace s7  }
0x9a: {  	_ =	strace $0x8FFFFFFF  }
0x9b: {  	s26 =	sld [smem:$0x3FDB];
	_ =	sdelay $0x2  }
0x9c: {  	s8 =	simm.s32 $_scs_section_size;
	s9 =	simm.s32 $_tile_overlayer_lowered  }
0x9d: {  	s28 =	simm.s32 $_size__tile_overlayer_lowered;
	s9 =	sshll.u32 s9, $0x1;
	s7 =	sadd.s32 s8, s26  }
0x9e: {  	s10 =	simm.s32 $0x1BFF;
	s8 =	sshll.u32 s28, $0x1;
	s9 =	sadd.s32 s9, s7  }
0x9f: {  	[timem:s1], [sflag:s10] =	dma.local [hbm:s9], s8  }
0xa0: {  	_ =	swait.ge [sflag:s10], s8  }
0xa1: {  	s8 =	ssub.s32 $0x0, s8;
	[sflag:s10] =	ssyncset.done $0x0  }
0xa2: {  	[sflag:s10] =	ssyncadd.s32 s8;
	_ =	sdelay $0x1  }
0xa3: {  	s29 =	simm.s32 $0x1B8B  }
0xa4: {  	_ =	swait.ge [sflag:s29], $0x1  }
0xa5: {  	[sflag:s29] =	ssyncset.done $0x0  }
0xa6: {  	s30 =	simm.s32 $0x1B8E;
	[sflag:s29] =	ssyncadd.s32 $0xFFFFFFFF  }
0xa7: {  	s31 =	simm.s32 $execute0_lowered;
	[smem:$0x3FD2] =	sst s30  }
0xa8: {  	s8 =	sshll.u32 s31, $0x1;
	_ =	strace $0x80000046;
	[dreg:$0x1] =	wrdreg $0xFFFFFFFF  }
0xa9: {  	s9 =	simm.s32 $_size_execute0_lowered;
	s7 =	sadd.s32 s7, s8;
	[dreg:$0x0] =	wrdreg $0x0  }
0xaa: {  	s8 =	sshll.u32 s9, $0x1;
	[dreg:$0x2] =	wrdreg s7  }
0xab: {  	[dreg:$0x3] =	wrdreg s8  }
0xac: {  	[dreg:$0x4] =	wrdreg $0xC0  }
0xad: {  	_ =	task [dreg:s1], $0x5FFFF  }
0xae: {  	[dreg:$0x1] =	wrdreg $0xFFFFFFFF  }
0xaf: {  	[dreg:$0x0] =	wrdreg $0x60  }
0xb0: {  	[dreg:$0x2] =	wrdreg s4  }
0xb1: {  	[dreg:$0x3] =	wrdreg s6  }
0xb2: {  	[dreg:$0x4] =	wrdreg $0x0  }
0xb3: {  	[dreg:$0x5] =	wrdreg $0x9  }
0xb4: {  	s3 =	sadd.s32 s25, s5;
	s10 =	simm.s32 $0xA;
	_ =	task.clear_ibuf [dreg:s1], $0x6FFFF  }
0xb5: {  	[spmem:s1], [sflag:s10] =	dma.local [hbm:s3], $0x400  }
0xb6: {  	_ =	swait.ge [sflag:s10], $0x400  }
0xb7: {  	[sflag:s10] =	ssyncset.done $0x0  }
0xb8: {  	[sflag:s10] =	ssyncadd.s32 $0xFFFFFC00  }
0xb9: {  	s11 =	sld [smem:$0x0];
	_ =	sdelay $0x2  }
0xba: {  	s12 =	sshrl.u32 s2, $0x2  }
0xbb: {  	s13 =	sand.u32 $0x3, s2;
	s3 =	sadd.s32 s12, s11  }
0xbc: {  	s5 =	sshll.u32 s13, $0xE;
	s3 =	sshll.u32 s3, $0x11  }
0xbd: {  	s3 =	sor.u32 s3, s5  }
0xbe: {  	s5 =	sor.u32 $0x11C01, s3  }
0xbf: {  	s14 =	sor.u32 $0x11C41, s3;
	[sflag:s5] =	ssyncadd.remote.s32 $0x1  }
0xc0: {  	s15 =	sor.u32 $0x11C81, s3;
	[sflag:s14] =	ssyncadd.remote.s32 $0x1  }
0xc1: {  	s16 =	sor.u32 $0x11CC1, s3;
	[sflag:s15] =	ssyncadd.remote.s32 $0x1  }
0xc2: {  	s17 =	sor.u32 $0x11D01, s3;
	[sflag:s16] =	ssyncadd.remote.s32 $0x1  }
0xc3: {  	s18 =	sor.u32 $0x11D41, s3;
	[sflag:s17] =	ssyncadd.remote.s32 $0x1  }
0xc4: {  	s19 =	sor.u32 $0x11D81, s3;
	[sflag:s18] =	ssyncadd.remote.s32 $0x1  }
0xc5: {  	s20 =	sor.u32 $0x11DC1, s3;
	[sflag:s19] =	ssyncadd.remote.s32 $0x1  }
0xc6: {  	s21 =	sor.u32 $0x11E01, s3;
	[sflag:s20] =	ssyncadd.remote.s32 $0x1  }
0xc7: {  	s22 =	sor.u32 $0x11E41, s3;
	[sflag:s21] =	ssyncadd.remote.s32 $0x1  }
0xc8: {  	s23 =	sor.u32 $0x11E81, s3;
	[sflag:s22] =	ssyncadd.remote.s32 $0x1  }
0xc9: {  	s24 =	sor.u32 $0x11EC1, s3;
	[sflag:s23] =	ssyncadd.remote.s32 $0x1  }
0xca: {  	s25 =	sor.u32 $0x11F01, s3;
	[sflag:s24] =	ssyncadd.remote.s32 $0x1  }
0xcb: {  	s26 =	sor.u32 $0x11F41, s3;
	[sflag:s25] =	ssyncadd.remote.s32 $0x1  }
0xcc: {  	s28 =	sor.u32 $0x11F81, s3;
	[sflag:s26] =	ssyncadd.remote.s32 $0x1  }
0xcd: {  	s3 =	sor.u32 $0x11FC1, s3;
	[sflag:s28] =	ssyncadd.remote.s32 $0x1  }
0xce: {  	[sflag:s3] =	ssyncadd.remote.s32 $0x1  }
0xcf: {  	_ =	strace $0x90000046  }
0xd0: {  	s29 =	simm.s32 $0x9;
	_ =	strace $0x80000048  }
0xd1: {  	_ =	swait.ge [sflag:s29], $0x1  }
0xd2: {  	[sflag:s29] =	ssyncadd.s32 $0xFFFFFFFF  }
0xd3: {  	_ =	strace $0x90000048  }
0xd4: {  	_ =	sfence  }
0xd5: {  	s30 =	sld [smem:$0x0];
	_ =	sdelay $0x2  }
0xd6: {  	s2 =	sshll.u32 s2, $0xD  }
0xd7: {  	s2 =	sand.u32 $0x4000, s2;
	s3 =	sadd.s32 s12, s30  }
0xd8: {  	s0 =	sor.u32 s2, s0;
	s31 =	sshll.u32 s3, $0x11  }
0xd9: {  	s0 =	sor.u32 s31, s0  }
0xda: {  	s0 =	sadd.s32 $0x8F2B, s0  }
0xdb: {  	[sflag:s0] =	ssyncadd.remote.s32 $0x1  }
0xdc: {  	_ =	sfence.sel $0xFFFF  }
0xdd: {  	[dreg:$0x0] =	wrdreg $0xFFFFFFFF;
	(pc) =	sbr.abs _section_cstart, $3  }
0xde: {  	[dreg:$0x1] =	wrdreg $0xFFFFFFFF  }
0xdf: {  	_ =	task.clear_ibuf [dreg:s1], $0x2FFFF;
	_ =	strace $0x9FFFFFFF  }
0xe0: {  	(tm) =	ssettm $0x7FFFFFFF  }
0xe1: {  	_ =	shalt  }
tec
execute0_lowered:
.L_overlay_start_1:
0x0: {  	(tag) =	ssettag $0x1  }
0x1: {  	s1 =	rddreg [dreg:$0x0]  }
0x2: {  	s10 =	rddreg [dreg:$0x1]  }
0x3: {  	s5 =	rddreg [dreg:$0x2]  }
0x4: {  	s0 =	rddreg [dreg:$0x3];
	s3 =	simm.s32 $0x0  }
0x5: {  	s2 =	stileid.u32;
	[smem:$0x7FF] =	sst s3  }
0x6: {  	s4 =	simm.s32 $0x1;
	s6 =	srdreg.scid;
	_ =	strace $0x80000047  }
0x7: {  	s7 =	sshll.u32 s2, $0x9;
	s11 =	sand.u32 $0x1, s6;
	_ =	swait.ge [sflag:s4], $0x1  }
0x8: {  	s6 =	simm.s32 $0x3;
	s5 =	sadd.s32 s7, s5;
	[sflag:s4] =	ssyncset.done $0x0  }
0x9: {  	s7 =	simm.s32 $0x200;
	s12 =	ssub.s32 $0x2, s11;
	[sflag:s4] =	ssyncadd.s32 $0xFFFFFFFF  }
0xa: {  	[tilespmem:s7], [sflag:$0x3] =	stream.linear.gather [spmem:s5], $0x200, $0x38;
	[tilespmem:$0x600] =	vst v63  }
0xb: {  	s8 =	simm.s32 $0x400;
	s13 =	sshrl.u32 s12, $0x1;
	_ =	swait.ge [sflag:s6], $0x200  }
0xc: {  	s9 =	simm.s32 $0x2;
	s12 =	ssub.s32 s12, s13;
	[sflag:s6] =	ssyncset.done $0x0  }
0xd: {  	s30 =	sshll.u32 s2, $0x6;
	s31 =	smax.u32 s12, $0x1;
	[sflag:s6] =	ssyncadd.s32 $0xFFFFFE00  }
0xe: {  	[tilespmem:s8], [sflag:$0x2] =	stream.indirect.gather [hbm4b:s1+s7], $0x1, s7, s7, $0xb8;
	[tilespmem:$0x600] =	vst v63  }
0xf: {  	s10 =	sadd.s32 s10, s30;
	p0 =	sne.s32 s31, $0x1;
	_ =	swait.ge [sflag:s9], $0x200  }
.Ltmp0:
0x10: {  	s11 =	sshll.u32 s11, $0xA;
	[sflag:s9] =	ssyncset.done $0x0;
	(pc) =	sbr.rel @!p0 .LBB2_2-.Ltmp0, $4  }
0x11: {  	s10 =	sadd.s32 s11, s10;
	[sflag:s9] =	ssyncadd.s32 $0xFFFFFE00  }
0x12: {  	[hbm4b:s10+s3] =	stream.linear.scatter [tilespmem:s8], [sflag:$0x3], $0x200, $0x38;
	[tilespmem:$0x600] =	vst v63  }
0x13: {  	_ =	swait.ge [sflag:s6], $0x200  }
0x14: {  	s11 =	sadd.s32 $0xFFFFFFFF, s31;
	[sflag:s6] =	ssyncset.done $0x0  }
.LBB2_1:
0x15: {  	p0 =	sne.s32 s11, $0x1;
	s11 =	sadd.s32 $0xFFFFFFFF, s11;
	[sflag:s6] =	ssyncadd.s32 $0xFFFFFE00  }
0x16: {  	_ =	swait.ge [sflag:s4], $0x1  }
0x17: {  	[sflag:s4] =	ssyncset.done $0x0  }
0x18: {  	[sflag:s4] =	ssyncadd.s32 $0xFFFFFFFF  }
0x19: {  	[tilespmem:s7], [sflag:$0x3] =	stream.linear.gather [spmem:s5], $0x200, $0x38;
	[tilespmem:$0x600] =	vst v63  }
0x1a: {  	_ =	swait.ge [sflag:s6], $0x200  }
0x1b: {  	[sflag:s6] =	ssyncset.done $0x0  }
0x1c: {  	[sflag:s6] =	ssyncadd.s32 $0xFFFFFE00  }
0x1d: {  	[tilespmem:s8], [sflag:$0x2] =	stream.indirect.gather [hbm4b:s1+s7], $0x1, s7, s7, $0xb8;
	[tilespmem:$0x600] =	vst v63  }
0x1e: {  	_ =	swait.ge [sflag:s9], $0x200  }
.Ltmp1:
0x1f: {  	[sflag:s9] =	ssyncset.done $0x0;
	(pc) =	sbr.rel @p0 .LBB2_1-.Ltmp1, $4  }
0x20: {  	[sflag:s9] =	ssyncadd.s32 $0xFFFFFE00  }
0x21: {  	[hbm4b:s10+s3] =	stream.linear.scatter [tilespmem:s8], [sflag:$0x3], $0x200, $0x38;
	[tilespmem:$0x600] =	vst v63  }
0x22: {  	_ =	swait.ge [sflag:s6], $0x200  }
0x23: {  	[sflag:s6] =	ssyncset.done $0x0  }
.LBB2_2:
0x24: {  	[sflag:s6] =	ssyncadd.s32 $0xFFFFFE00  }
0x25: {  	_ =	sfence.sel $0x180000  }
0x26: {  	[bflag:$0x0] =	sbarrier.arrive $0xFFFF  }
0x27: {  	p0 =	sne.s32 s2, $0x0;
	_ =	strace $0x90000047  }
0x28: {  	s0 =	sadd.s32 @!p0 $0x100000, s0;
	[bflag:$0x2] =	sbarrier.arrive $0xFFFF  }
0x29: {  	[sflag:s0] =	ssyncadd.tile.s32 @!p0 $0x1;
	_ =	shalt  }
.Lfunc_end2:
_tile_overlayer_lowered:
.L_overlay_start_2:
0x2a: {  	(tag) =	ssettag $0x2  }
0x2b: {  	s0 =	rddreg [dreg:$0x0];
	s2 =	stileid.u32  }
0x2c: {  	s1 =	rddreg [dreg:$0x1];
	p0 =	sne.s32 s2, $0x0  }
0x2d: {  	s3 =	rddreg [dreg:$0x2];
	[bflag:$0x3] =	sbarrier.arrive $0xFFFF;
	s2 =	simm.s32 @!p0 $0x1C03  }
0x2e: {  	[timem:s3], [sflag:s2] =	dma.local @!p0 [hbm:s0], s1  }
0x2f: {  	s0 =	simm.s32 @!p0 $0x3  }
0x30: {  	_ =	swait.ge @!p0 [sflag:s0], s1  }
0x31: {  	s1 =	ssub.s32 @!p0 $0x0, s1;
	[sflag:s0] =	ssyncset.done @!p0 $0x0  }
0x32: {  	[sflag:s0] =	ssyncadd.s32 @!p0 s1  }
0x33: {  	[bflag:$0x3] =	sbarrier.arrive $0xFFFF  }
0x34: {  	_ =	shalt  }

</sc_bundles>
